<compile_context>
chip_gen: v7x
topology: tpu7x:2x2x1
jax: 0.10.2.dev20260603
libtpu: 0.0.44.dev20260713+nightly
codegen_flags: <defaults>
</compile_context>

<pallas_src>
import functools

import jax
import jax.numpy as jnp
from jax import lax
from jax.experimental import pallas as pl
from jax.experimental.pallas import tpu as pltpu
from jax.experimental.pallas import tpu_sc as plsc

_NBUF = 5
_K = 4


@functools.lru_cache(maxsize=None)
def _make_gather(V, D, batch, ncand):
    info = plsc.get_sparse_core_info()
    NC, NS = info.num_cores, info.num_subcores
    NW = NC * NS
    assert batch % NW == 0
    bw = batch // NW
    n = ncand
    assert n % _NBUF == 0 and bw <= 128

    mesh = plsc.VectorSubcoreMesh(core_axis_name="c", subcore_axis_name="s")

    @functools.partial(
        pl.kernel,
        mesh=mesh,
        out_type=jax.ShapeDtypeStruct((ncand, batch, D), jnp.float32),
        scratch_types=(
            [pltpu.VMEM((n, bw), jnp.int32)]
            + [pltpu.VMEM((bw, D), jnp.float32) for _ in range(_NBUF)]
            + [pltpu.SemaphoreType.DMA for _ in range(2 * _NBUF)]
        ),
    )
    def k(idx_hbm, table_hbm, out_hbm, idx_v, *bufs_and_sems):
        bufs = bufs_and_sems[:_NBUF]
        gsem = bufs_and_sems[_NBUF:2 * _NBUF]
        ssem = bufs_and_sems[2 * _NBUF:]
        wid = lax.axis_index("s") * NC + lax.axis_index("c")
        b0 = wid * bw
        pltpu.sync_copy(idx_hbm.at[:, pl.ds(b0, bw)], idx_v)

        def start_gather(i, b):
            pltpu.async_copy(table_hbm.at[idx_v.at[i]], bufs[b], gsem[b])

        def wait_gather(b):
            pltpu.make_async_copy(
                table_hbm.at[idx_v.at[0]], bufs[b], gsem[b]).wait()

        def start_store(i, b):
            pltpu.async_copy(bufs[b], out_hbm.at[i, pl.ds(b0, bw)], ssem[b])

        def wait_store(b):
            pltpu.make_async_copy(
                bufs[b], out_hbm.at[0, pl.ds(b0, bw)], ssem[b]).wait()

        for i in range(_K):
            start_gather(i, i)

        def body(g, carry):
            i0 = g * _NBUF
            for b in range(_NBUF):
                i = i0 + b
                bg = (b + _K) % _NBUF

                @pl.when(i + _K < n)
                def _():
                    @pl.when(i >= _NBUF - _K)
                    def _():
                        wait_store(bg)
                    start_gather(i + _K, bg)

                wait_gather(b)
                start_store(i, b)
            return carry

        lax.fori_loop(0, n // _NBUF, body, 0)

        for j in range(_NBUF - _K):
            wait_store((n - 1 - j) % _NBUF)

    def run(idx, table):
        return k(idx, table)

    return run


def kernel(entity_ids, type_memberships):
    batch, ncand = entity_ids.shape
    V, D = type_memberships.shape
    idx_t = entity_ids.T.astype(jnp.int32)
    out_t = _make_gather(V, D, batch, ncand)(idx_t, type_memberships)
    return out_t.transpose(1, 0, 2)

# --- scband reference (transcript-rebuilt; emitter-appended) ---
"""Pipeline reference for scband-candidate-type-membership-39384850104620 (READ-ONLY COPY).

The authoritative reference and input builder live on the scoring server;
editing this copy changes nothing except your own understanding.
"""

import jax, jax.numpy as jnp
import numpy as np

NUM_ENTITIES = 100000
NUM_TYPES = 128
BATCH = 4096
NUM_CANDIDATES = 50


def setup_inputs(seed: int = 0) -> dict:
    key = jax.random.key(seed)
    k1, k2 = jax.random.split(key)
    entity_ids = jax.random.randint(k1, (BATCH, NUM_CANDIDATES), 0, NUM_ENTITIES)
    # Binary TBox membership table (crisp assignments), stored as float buffer
    type_memberships = (jax.random.uniform(k2, (NUM_ENTITIES, NUM_TYPES)) < 0.1).astype(jnp.float32)
    return {"entity_ids": entity_ids, "type_memberships": type_memberships}


def reference(entity_ids, type_memberships):
    batch_size, num_candidates = entity_ids.shape
    flat_ids = entity_ids.reshape(-1)
    flat_memberships = jnp.take(type_memberships, flat_ids, axis=0)
    memberships = flat_memberships.reshape(batch_size, num_candidates, type_memberships.shape[1])
    return memberships

if __name__ == "__main__":
    import jax
    _d = setup_inputs()
    print(jax.jit(kernel)(*tuple(_d.values())))

</pallas_src>

<mosaic_0001>
#map = affine_map<(d0, d1) -> (0, 0)>
#map1 = affine_map<(d0, d1) -> (0, 0, 0)>
module attributes {stable_mosaic.version = 14 : i64} {
  func.func @k(%arg0: i32, %arg1: i32, %arg2: memref<50x4096xi32, #tpu.memory_space<hbm>>, %arg3: memref<100000x128xf32, #tpu.memory_space<hbm>>, %arg4: memref<50x4096x128xf32, #tpu.memory_space<hbm>>, %arg5: memref<50x128xi32, #tpu.memory_space<vmem>>, %arg6: memref<128x128xf32, #tpu.memory_space<vmem>>, %arg7: memref<128x128xf32, #tpu.memory_space<vmem>>, %arg8: memref<128x128xf32, #tpu.memory_space<vmem>>, %arg9: memref<128x128xf32, #tpu.memory_space<vmem>>, %arg10: memref<128x128xf32, #tpu.memory_space<vmem>>, %arg11: memref<!tpu.dma_semaphore, #tpu.memory_space<semaphore_mem>>, %arg12: memref<!tpu.dma_semaphore, #tpu.memory_space<semaphore_mem>>, %arg13: memref<!tpu.dma_semaphore, #tpu.memory_space<semaphore_mem>>, %arg14: memref<!tpu.dma_semaphore, #tpu.memory_space<semaphore_mem>>, %arg15: memref<!tpu.dma_semaphore, #tpu.memory_space<semaphore_mem>>, %arg16: memref<!tpu.dma_semaphore, #tpu.memory_space<semaphore_mem>>, %arg17: memref<!tpu.dma_semaphore, #tpu.memory_space<semaphore_mem>>, %arg18: memref<!tpu.dma_semaphore, #tpu.memory_space<semaphore_mem>>, %arg19: memref<!tpu.dma_semaphore, #tpu.memory_space<semaphore_mem>>, %arg20: memref<!tpu.dma_semaphore, #tpu.memory_space<semaphore_mem>>) attributes {dimension_semantics = [#tpu.dimension_semantics<core_parallel>, #tpu.dimension_semantics<subcore_parallel>], iteration_bounds = array<i64: 2, 16>, scalar_prefetch = 0 : i64, scratch_operands = 16 : i64, tpu.core_type = #tpu.core_type<sc_vector_subcore>, window_params = [{transform_indices = #map}, {transform_indices = #map}, {transform_indices = #map1}]} {
    %mul3A = arith.constant 2 : i32
    %mul3A_0 = arith.muli %arg1, %mul3A : i32
    %add3A = arith.addi %mul3A_0, %arg0 : i32
    %mul3A_1 = arith.constant 128 : i32
    %mul3A_2 = arith.muli %add3A, %mul3A_1 : i32
    "tpu.region"() ({
      %run_scoped3A = tpu.sem_alloc : memref<!tpu.dma_semaphore, #tpu.memory_space<semaphore_mem>>
      %dma_start3A_41 = arith.constant 0 : i32
      %dma_start3A_42 = tpu.memref_slice %arg2[%dma_start3A_41, %mul3A_2] : memref<50x4096xi32, #tpu.memory_space<hbm>> -> memref<50x128xi32, #tpu.memory_space<hbm>>
      %dma_start3A_43 = arith.constant 0 : i32
      %dma_start3A_44 = tpu.memref_slice %arg2[%dma_start3A_43, %mul3A_2] : memref<50x4096xi32, #tpu.memory_space<hbm>> -> memref<50x128xi32, #tpu.memory_space<hbm>>
      tpu.enqueue_dma source(%dma_start3A_44 : memref<50x128xi32, #tpu.memory_space<hbm>>) target(%arg5 : memref<50x128xi32, #tpu.memory_space<vmem>>) target_semaphore(%run_scoped3A : memref<!tpu.dma_semaphore, #tpu.memory_space<semaphore_mem>>)
      %dma_wait3A_45 = arith.constant 0 : i32
      %dma_wait3A_46 = tpu.memref_slice %arg2[%dma_wait3A_45, %mul3A_2] : memref<50x4096xi32, #tpu.memory_space<hbm>> -> memref<50x128xi32, #tpu.memory_space<hbm>>
      %dma_wait3A_47 = arith.constant 0 : i32
      %dma_wait3A_48 = tpu.memref_slice %arg2[%dma_wait3A_47, %mul3A_2] : memref<50x4096xi32, #tpu.memory_space<hbm>> -> memref<50x128xi32, #tpu.memory_space<hbm>>
      tpu.wait_dma2 semaphore(%run_scoped3A : memref<!tpu.dma_semaphore, #tpu.memory_space<semaphore_mem>>) src(%dma_wait3A_48 : memref<50x128xi32, #tpu.memory_space<hbm>>) dst(%arg5 : memref<50x128xi32, #tpu.memory_space<vmem>>)
      tpu.yield
    }) : () -> ()
    %dma_start3A = arith.constant 0 : i32
    %dma_start3A_3 = arith.constant 0 : i32
    %dma_start3A_4 = tpu.memref_slice %arg5[%dma_start3A, %dma_start3A_3] : memref<50x128xi32, #tpu.memory_space<vmem>> -> memref<1x128xi32, #tpu.memory_space<vmem>>
    %dma_start3A_5 = tpu.memref_squeeze %dma_start3A_4 : memref<1x128xi32, #tpu.memory_space<vmem>> -> memref<128xi32, #tpu.memory_space<vmem>>
    %dma_start3A_6 = arith.constant 0 : i32
    %dma_start3A_7 = arith.constant 0 : i32
    %dma_start3A_8 = tpu.memref_slice %arg3[%dma_start3A_6, %dma_start3A_7] : memref<100000x128xf32, #tpu.memory_space<hbm>> -> memref<100000x128xf32, #tpu.memory_space<hbm>>
    tpu.enqueue_indirect_dma source(%dma_start3A_8 : memref<100000x128xf32, #tpu.memory_space<hbm>>) target(%arg6 : memref<128x128xf32, #tpu.memory_space<vmem>>) offsets(%dma_start3A_5 : memref<128xi32, #tpu.memory_space<vmem>>) semaphore(%arg11 : memref<!tpu.dma_semaphore, #tpu.memory_space<semaphore_mem>>)
    %dma_start3A_9 = arith.constant 1 : i32
    %dma_start3A_10 = arith.constant 0 : i32
    %dma_start3A_11 = tpu.memref_slice %arg5[%dma_start3A_9, %dma_start3A_10] : memref<50x128xi32, #tpu.memory_space<vmem>> -> memref<1x128xi32, #tpu.memory_space<vmem>>
    %dma_start3A_12 = tpu.memref_squeeze %dma_start3A_11 : memref<1x128xi32, #tpu.memory_space<vmem>> -> memref<128xi32, #tpu.memory_space<vmem>>
    %dma_start3A_13 = arith.constant 0 : i32
    %dma_start3A_14 = arith.constant 0 : i32
    %dma_start3A_15 = tpu.memref_slice %arg3[%dma_start3A_13, %dma_start3A_14] : memref<100000x128xf32, #tpu.memory_space<hbm>> -> memref<100000x128xf32, #tpu.memory_space<hbm>>
    tpu.enqueue_indirect_dma source(%dma_start3A_15 : memref<100000x128xf32, #tpu.memory_space<hbm>>) target(%arg7 : memref<128x128xf32, #tpu.memory_space<vmem>>) offsets(%dma_start3A_12 : memref<128xi32, #tpu.memory_space<vmem>>) semaphore(%arg12 : memref<!tpu.dma_semaphore, #tpu.memory_space<semaphore_mem>>)
    %dma_start3A_16 = arith.constant 2 : i32
    %dma_start3A_17 = arith.constant 0 : i32
    %dma_start3A_18 = tpu.memref_slice %arg5[%dma_start3A_16, %dma_start3A_17] : memref<50x128xi32, #tpu.memory_space<vmem>> -> memref<1x128xi32, #tpu.memory_space<vmem>>
    %dma_start3A_19 = tpu.memref_squeeze %dma_start3A_18 : memref<1x128xi32, #tpu.memory_space<vmem>> -> memref<128xi32, #tpu.memory_space<vmem>>
    %dma_start3A_20 = arith.constant 0 : i32
    %dma_start3A_21 = arith.constant 0 : i32
    %dma_start3A_22 = tpu.memref_slice %arg3[%dma_start3A_20, %dma_start3A_21] : memref<100000x128xf32, #tpu.memory_space<hbm>> -> memref<100000x128xf32, #tpu.memory_space<hbm>>
    tpu.enqueue_indirect_dma source(%dma_start3A_22 : memref<100000x128xf32, #tpu.memory_space<hbm>>) target(%arg8 : memref<128x128xf32, #tpu.memory_space<vmem>>) offsets(%dma_start3A_19 : memref<128xi32, #tpu.memory_space<vmem>>) semaphore(%arg13 : memref<!tpu.dma_semaphore, #tpu.memory_space<semaphore_mem>>)
    %dma_start3A_23 = arith.constant 3 : i32
    %dma_start3A_24 = arith.constant 0 : i32
    %dma_start3A_25 = tpu.memref_slice %arg5[%dma_start3A_23, %dma_start3A_24] : memref<50x128xi32, #tpu.memory_space<vmem>> -> memref<1x128xi32, #tpu.memory_space<vmem>>
    %dma_start3A_26 = tpu.memref_squeeze %dma_start3A_25 : memref<1x128xi32, #tpu.memory_space<vmem>> -> memref<128xi32, #tpu.memory_space<vmem>>
    %dma_start3A_27 = arith.constant 0 : i32
    %dma_start3A_28 = arith.constant 0 : i32
    %dma_start3A_29 = tpu.memref_slice %arg3[%dma_start3A_27, %dma_start3A_28] : memref<100000x128xf32, #tpu.memory_space<hbm>> -> memref<100000x128xf32, #tpu.memory_space<hbm>>
    tpu.enqueue_indirect_dma source(%dma_start3A_29 : memref<100000x128xf32, #tpu.memory_space<hbm>>) target(%arg9 : memref<128x128xf32, #tpu.memory_space<vmem>>) offsets(%dma_start3A_26 : memref<128xi32, #tpu.memory_space<vmem>>) semaphore(%arg14 : memref<!tpu.dma_semaphore, #tpu.memory_space<semaphore_mem>>)
    %scan3A = arith.constant 0 : i32
    %scan3A_30 = arith.constant 0 : i32
    %scan3A_31 = arith.constant 10 : i32
    %scan3A_32 = arith.addi %scan3A_30, %scan3A_31 : i32
    %scan3A_33 = arith.constant 1 : i32
    scf.for %scan3A_41 = %scan3A_30 to %scan3A_32 step %scan3A_33  : i32 {
      %mul3A_42 = arith.constant 5 : i32
      %mul3A_43 = arith.muli %scan3A_41, %mul3A_42 : i32
      %add3A_44 = arith.constant 0 : i32
      %add3A_45 = arith.addi %mul3A_43, %add3A_44 : i32
      %add3A_46 = arith.constant 4 : i32
      %add3A_47 = arith.addi %add3A_45, %add3A_46 : i32
      %lt3A = arith.constant 50 : i32
      %lt3A_48 = arith.cmpi slt, %add3A_47, %lt3A : i32
      %convert_element_type3A = arith.extui %lt3A_48 : i1 to i32
      %cond3A = arith.constant 0 : i32
      %cond3A_49 = arith.cmpi ne, %convert_element_type3A, %cond3A : i32
      scf.if %cond3A_49 {
        %ge3A = arith.constant 1 : i32
        %ge3A_151 = arith.cmpi sge, %add3A_45, %ge3A : i32
        %convert_element_type3A_152 = arith.extui %ge3A_151 : i1 to i32
        %cond3A_153 = arith.constant 0 : i32
        %cond3A_154 = arith.cmpi ne, %convert_element_type3A_152, %cond3A_153 : i32
        scf.if %cond3A_154 {
          %dma_wait3A_163 = arith.constant 0 : i32
          %dma_wait3A_164 = arith.constant 0 : i32
          %dma_wait3A_165 = tpu.memref_slice %arg4[%dma_wait3A_163, %mul3A_2, %dma_wait3A_164] : memref<50x4096x128xf32, #tpu.memory_space<hbm>> -> memref<1x128x128xf32, #tpu.memory_space<hbm>>
          %dma_wait3A_166 = tpu.memref_squeeze %dma_wait3A_165 : memref<1x128x128xf32, #tpu.memory_space<hbm>> -> memref<128x128xf32, #tpu.memory_space<hbm>>
          %dma_wait3A_167 = arith.constant 0 : i32
          %dma_wait3A_168 = tpu.memref_slice %arg4[%dma_wait3A_163, %mul3A_2, %dma_wait3A_167] : memref<50x4096x128xf32, #tpu.memory_space<hbm>> -> memref<1x128x128xf32, #tpu.memory_space<hbm>>
          %dma_wait3A_169 = tpu.memref_squeeze %dma_wait3A_168 : memref<1x128x128xf32, #tpu.memory_space<hbm>> -> memref<128x128xf32, #tpu.memory_space<hbm>>
          tpu.wait_dma2 semaphore(%arg20 : memref<!tpu.dma_semaphore, #tpu.memory_space<semaphore_mem>>) src(%arg10 : memref<128x128xf32, #tpu.memory_space<vmem>>) dst(%dma_wait3A_169 : memref<128x128xf32, #tpu.memory_space<hbm>>)
        } else {
        }
        %add3A_155 = arith.constant 4 : i32
        %add3A_156 = arith.addi %add3A_45, %add3A_155 : i32
        %dma_start3A_157 = arith.constant 0 : i32
        %dma_start3A_158 = tpu.memref_slice %arg5[%add3A_156, %dma_start3A_157] : memref<50x128xi32, #tpu.memory_space<vmem>> -> memref<1x128xi32, #tpu.memory_space<vmem>>
        %dma_start3A_159 = tpu.memref_squeeze %dma_start3A_158 : memref<1x128xi32, #tpu.memory_space<vmem>> -> memref<128xi32, #tpu.memory_space<vmem>>
        %dma_start3A_160 = arith.constant 0 : i32
        %dma_start3A_161 = arith.constant 0 : i32
        %dma_start3A_162 = tpu.memref_slice %arg3[%dma_start3A_160, %dma_start3A_161] : memref<100000x128xf32, #tpu.memory_space<hbm>> -> memref<100000x128xf32, #tpu.memory_space<hbm>>
        tpu.enqueue_indirect_dma source(%dma_start3A_162 : memref<100000x128xf32, #tpu.memory_space<hbm>>) target(%arg10 : memref<128x128xf32, #tpu.memory_space<vmem>>) offsets(%dma_start3A_159 : memref<128xi32, #tpu.memory_space<vmem>>) semaphore(%arg15 : memref<!tpu.dma_semaphore, #tpu.memory_space<semaphore_mem>>)
      } else {
      }
      %dma_wait3A_50 = arith.constant 0 : i32
      %dma_wait3A_51 = arith.constant 0 : i32
      %dma_wait3A_52 = tpu.memref_slice %arg5[%dma_wait3A_50, %dma_wait3A_51] : memref<50x128xi32, #tpu.memory_space<vmem>> -> memref<1x128xi32, #tpu.memory_space<vmem>>
      %dma_wait3A_53 = tpu.memref_squeeze %dma_wait3A_52 : memref<1x128xi32, #tpu.memory_space<vmem>> -> memref<128xi32, #tpu.memory_space<vmem>>
      %dma_wait3A_54 = arith.constant 0 : i32
      %dma_wait3A_55 = arith.constant 0 : i32
      %dma_wait3A_56 = tpu.memref_slice %arg3[%dma_wait3A_54, %dma_wait3A_55] : memref<100000x128xf32, #tpu.memory_space<hbm>> -> memref<100000x128xf32, #tpu.memory_space<hbm>>
      tpu.wait_indirect_dma semaphore(%arg11 : memref<!tpu.dma_semaphore, #tpu.memory_space<semaphore_mem>>) src(%dma_wait3A_56 : memref<100000x128xf32, #tpu.memory_space<hbm>>) dst(%arg6 : memref<128x128xf32, #tpu.memory_space<vmem>>)
      %dma_start3A_57 = arith.constant 0 : i32
      %dma_start3A_58 = tpu.memref_slice %arg4[%add3A_45, %mul3A_2, %dma_start3A_57] : memref<50x4096x128xf32, #tpu.memory_space<hbm>> -> memref<1x128x128xf32, #tpu.memory_space<hbm>>
      %dma_start3A_59 = tpu.memref_squeeze %dma_start3A_58 : memref<1x128x128xf32, #tpu.memory_space<hbm>> -> memref<128x128xf32, #tpu.memory_space<hbm>>
      %dma_start3A_60 = arith.constant 0 : i32
      %dma_start3A_61 = tpu.memref_slice %arg4[%add3A_45, %mul3A_2, %dma_start3A_60] : memref<50x4096x128xf32, #tpu.memory_space<hbm>> -> memref<1x128x128xf32, #tpu.memory_space<hbm>>
      %dma_start3A_62 = tpu.memref_squeeze %dma_start3A_61 : memref<1x128x128xf32, #tpu.memory_space<hbm>> -> memref<128x128xf32, #tpu.memory_space<hbm>>
      tpu.enqueue_dma source(%arg6 : memref<128x128xf32, #tpu.memory_space<vmem>>) target(%dma_start3A_62 : memref<128x128xf32, #tpu.memory_space<hbm>>) target_semaphore(%arg16 : memref<!tpu.dma_semaphore, #tpu.memory_space<semaphore_mem>>)
      %add3A_63 = arith.constant 1 : i32
      %add3A_64 = arith.addi %mul3A_43, %add3A_63 : i32
      %add3A_65 = arith.constant 4 : i32
      %add3A_66 = arith.addi %add3A_64, %add3A_65 : i32
      %lt3A_67 = arith.constant 50 : i32
      %lt3A_68 = arith.cmpi slt, %add3A_66, %lt3A_67 : i32
      %convert_element_type3A_69 = arith.extui %lt3A_68 : i1 to i32
      %cond3A_70 = arith.constant 0 : i32
      %cond3A_71 = arith.cmpi ne, %convert_element_type3A_69, %cond3A_70 : i32
      scf.if %cond3A_71 {
        %ge3A = arith.constant 1 : i32
        %ge3A_151 = arith.cmpi sge, %add3A_64, %ge3A : i32
        %convert_element_type3A_152 = arith.extui %ge3A_151 : i1 to i32
        %cond3A_153 = arith.constant 0 : i32
        %cond3A_154 = arith.cmpi ne, %convert_element_type3A_152, %cond3A_153 : i32
        scf.if %cond3A_154 {
          %dma_wait3A_163 = arith.constant 0 : i32
          %dma_wait3A_164 = arith.constant 0 : i32
          %dma_wait3A_165 = tpu.memref_slice %arg4[%dma_wait3A_163, %mul3A_2, %dma_wait3A_164] : memref<50x4096x128xf32, #tpu.memory_space<hbm>> -> memref<1x128x128xf32, #tpu.memory_space<hbm>>
          %dma_wait3A_166 = tpu.memref_squeeze %dma_wait3A_165 : memref<1x128x128xf32, #tpu.memory_space<hbm>> -> memref<128x128xf32, #tpu.memory_space<hbm>>
          %dma_wait3A_167 = arith.constant 0 : i32
          %dma_wait3A_168 = tpu.memref_slice %arg4[%dma_wait3A_163, %mul3A_2, %dma_wait3A_167] : memref<50x4096x128xf32, #tpu.memory_space<hbm>> -> memref<1x128x128xf32, #tpu.memory_space<hbm>>
          %dma_wait3A_169 = tpu.memref_squeeze %dma_wait3A_168 : memref<1x128x128xf32, #tpu.memory_space<hbm>> -> memref<128x128xf32, #tpu.memory_space<hbm>>
          tpu.wait_dma2 semaphore(%arg16 : memref<!tpu.dma_semaphore, #tpu.memory_space<semaphore_mem>>) src(%arg6 : memref<128x128xf32, #tpu.memory_space<vmem>>) dst(%dma_wait3A_169 : memref<128x128xf32, #tpu.memory_space<hbm>>)
        } else {
        }
        %add3A_155 = arith.constant 4 : i32
        %add3A_156 = arith.addi %add3A_64, %add3A_155 : i32
        %dma_start3A_157 = arith.constant 0 : i32
        %dma_start3A_158 = tpu.memref_slice %arg5[%add3A_156, %dma_start3A_157] : memref<50x128xi32, #tpu.memory_space<vmem>> -> memref<1x128xi32, #tpu.memory_space<vmem>>
        %dma_start3A_159 = tpu.memref_squeeze %dma_start3A_158 : memref<1x128xi32, #tpu.memory_space<vmem>> -> memref<128xi32, #tpu.memory_space<vmem>>
        %dma_start3A_160 = arith.constant 0 : i32
        %dma_start3A_161 = arith.constant 0 : i32
        %dma_start3A_162 = tpu.memref_slice %arg3[%dma_start3A_160, %dma_start3A_161] : memref<100000x128xf32, #tpu.memory_space<hbm>> -> memref<100000x128xf32, #tpu.memory_space<hbm>>
        tpu.enqueue_indirect_dma source(%dma_start3A_162 : memref<100000x128xf32, #tpu.memory_space<hbm>>) target(%arg6 : memref<128x128xf32, #tpu.memory_space<vmem>>) offsets(%dma_start3A_159 : memref<128xi32, #tpu.memory_space<vmem>>) semaphore(%arg11 : memref<!tpu.dma_semaphore, #tpu.memory_space<semaphore_mem>>)
      } else {
      }
      %dma_wait3A_72 = arith.constant 0 : i32
      %dma_wait3A_73 = arith.constant 0 : i32
      %dma_wait3A_74 = tpu.memref_slice %arg5[%dma_wait3A_72, %dma_wait3A_73] : memref<50x128xi32, #tpu.memory_space<vmem>> -> memref<1x128xi32, #tpu.memory_space<vmem>>
      %dma_wait3A_75 = tpu.memref_squeeze %dma_wait3A_74 : memref<1x128xi32, #tpu.memory_space<vmem>> -> memref<128xi32, #tpu.memory_space<vmem>>
      %dma_wait3A_76 = arith.constant 0 : i32
      %dma_wait3A_77 = arith.constant 0 : i32
      %dma_wait3A_78 = tpu.memref_slice %arg3[%dma_wait3A_76, %dma_wait3A_77] : memref<100000x128xf32, #tpu.memory_space<hbm>> -> memref<100000x128xf32, #tpu.memory_space<hbm>>
      tpu.wait_indirect_dma semaphore(%arg12 : memref<!tpu.dma_semaphore, #tpu.memory_space<semaphore_mem>>) src(%dma_wait3A_78 : memref<100000x128xf32, #tpu.memory_space<hbm>>) dst(%arg7 : memref<128x128xf32, #tpu.memory_space<vmem>>)
      %dma_start3A_79 = arith.constant 0 : i32
      %dma_start3A_80 = tpu.memref_slice %arg4[%add3A_64, %mul3A_2, %dma_start3A_79] : memref<50x4096x128xf32, #tpu.memory_space<hbm>> -> memref<1x128x128xf32, #tpu.memory_space<hbm>>
      %dma_start3A_81 = tpu.memref_squeeze %dma_start3A_80 : memref<1x128x128xf32, #tpu.memory_space<hbm>> -> memref<128x128xf32, #tpu.memory_space<hbm>>
      %dma_start3A_82 = arith.constant 0 : i32
      %dma_start3A_83 = tpu.memref_slice %arg4[%add3A_64, %mul3A_2, %dma_start3A_82] : memref<50x4096x128xf32, #tpu.memory_space<hbm>> -> memref<1x128x128xf32, #tpu.memory_space<hbm>>
      %dma_start3A_84 = tpu.memref_squeeze %dma_start3A_83 : memref<1x128x128xf32, #tpu.memory_space<hbm>> -> memref<128x128xf32, #tpu.memory_space<hbm>>
      tpu.enqueue_dma source(%arg7 : memref<128x128xf32, #tpu.memory_space<vmem>>) target(%dma_start3A_84 : memref<128x128xf32, #tpu.memory_space<hbm>>) target_semaphore(%arg17 : memref<!tpu.dma_semaphore, #tpu.memory_space<semaphore_mem>>)
      %add3A_85 = arith.constant 2 : i32
      %add3A_86 = arith.addi %mul3A_43, %add3A_85 : i32
      %add3A_87 = arith.constant 4 : i32
      %add3A_88 = arith.addi %add3A_86, %add3A_87 : i32
      %lt3A_89 = arith.constant 50 : i32
      %lt3A_90 = arith.cmpi slt, %add3A_88, %lt3A_89 : i32
      %convert_element_type3A_91 = arith.extui %lt3A_90 : i1 to i32
      %cond3A_92 = arith.constant 0 : i32
      %cond3A_93 = arith.cmpi ne, %convert_element_type3A_91, %cond3A_92 : i32
      scf.if %cond3A_93 {
        %ge3A = arith.constant 1 : i32
        %ge3A_151 = arith.cmpi sge, %add3A_86, %ge3A : i32
        %convert_element_type3A_152 = arith.extui %ge3A_151 : i1 to i32
        %cond3A_153 = arith.constant 0 : i32
        %cond3A_154 = arith.cmpi ne, %convert_element_type3A_152, %cond3A_153 : i32
        scf.if %cond3A_154 {
          %dma_wait3A_163 = arith.constant 0 : i32
          %dma_wait3A_164 = arith.constant 0 : i32
          %dma_wait3A_165 = tpu.memref_slice %arg4[%dma_wait3A_163, %mul3A_2, %dma_wait3A_164] : memref<50x4096x128xf32, #tpu.memory_space<hbm>> -> memref<1x128x128xf32, #tpu.memory_space<hbm>>
          %dma_wait3A_166 = tpu.memref_squeeze %dma_wait3A_165 : memref<1x128x128xf32, #tpu.memory_space<hbm>> -> memref<128x128xf32, #tpu.memory_space<hbm>>
          %dma_wait3A_167 = arith.constant 0 : i32
          %dma_wait3A_168 = tpu.memref_slice %arg4[%dma_wait3A_163, %mul3A_2, %dma_wait3A_167] : memref<50x4096x128xf32, #tpu.memory_space<hbm>> -> memref<1x128x128xf32, #tpu.memory_space<hbm>>
          %dma_wait3A_169 = tpu.memref_squeeze %dma_wait3A_168 : memref<1x128x128xf32, #tpu.memory_space<hbm>> -> memref<128x128xf32, #tpu.memory_space<hbm>>
          tpu.wait_dma2 semaphore(%arg17 : memref<!tpu.dma_semaphore, #tpu.memory_space<semaphore_mem>>) src(%arg7 : memref<128x128xf32, #tpu.memory_space<vmem>>) dst(%dma_wait3A_169 : memref<128x128xf32, #tpu.memory_space<hbm>>)
        } else {
        }
        %add3A_155 = arith.constant 4 : i32
        %add3A_156 = arith.addi %add3A_86, %add3A_155 : i32
        %dma_start3A_157 = arith.constant 0 : i32
        %dma_start3A_158 = tpu.memref_slice %arg5[%add3A_156, %dma_start3A_157] : memref<50x128xi32, #tpu.memory_space<vmem>> -> memref<1x128xi32, #tpu.memory_space<vmem>>
        %dma_start3A_159 = tpu.memref_squeeze %dma_start3A_158 : memref<1x128xi32, #tpu.memory_space<vmem>> -> memref<128xi32, #tpu.memory_space<vmem>>
        %dma_start3A_160 = arith.constant 0 : i32
        %dma_start3A_161 = arith.constant 0 : i32
        %dma_start3A_162 = tpu.memref_slice %arg3[%dma_start3A_160, %dma_start3A_161] : memref<100000x128xf32, #tpu.memory_space<hbm>> -> memref<100000x128xf32, #tpu.memory_space<hbm>>
        tpu.enqueue_indirect_dma source(%dma_start3A_162 : memref<100000x128xf32, #tpu.memory_space<hbm>>) target(%arg7 : memref<128x128xf32, #tpu.memory_space<vmem>>) offsets(%dma_start3A_159 : memref<128xi32, #tpu.memory_space<vmem>>) semaphore(%arg12 : memref<!tpu.dma_semaphore, #tpu.memory_space<semaphore_mem>>)
      } else {
      }
      %dma_wait3A_94 = arith.constant 0 : i32
      %dma_wait3A_95 = arith.constant 0 : i32
      %dma_wait3A_96 = tpu.memref_slice %arg5[%dma_wait3A_94, %dma_wait3A_95] : memref<50x128xi32, #tpu.memory_space<vmem>> -> memref<1x128xi32, #tpu.memory_space<vmem>>
      %dma_wait3A_97 = tpu.memref_squeeze %dma_wait3A_96 : memref<1x128xi32, #tpu.memory_space<vmem>> -> memref<128xi32, #tpu.memory_space<vmem>>
      %dma_wait3A_98 = arith.constant 0 : i32
      %dma_wait3A_99 = arith.constant 0 : i32
      %dma_wait3A_100 = tpu.memref_slice %arg3[%dma_wait3A_98, %dma_wait3A_99] : memref<100000x128xf32, #tpu.memory_space<hbm>> -> memref<100000x128xf32, #tpu.memory_space<hbm>>
      tpu.wait_indirect_dma semaphore(%arg13 : memref<!tpu.dma_semaphore, #tpu.memory_space<semaphore_mem>>) src(%dma_wait3A_100 : memref<100000x128xf32, #tpu.memory_space<hbm>>) dst(%arg8 : memref<128x128xf32, #tpu.memory_space<vmem>>)
      %dma_start3A_101 = arith.constant 0 : i32
      %dma_start3A_102 = tpu.memref_slice %arg4[%add3A_86, %mul3A_2, %dma_start3A_101] : memref<50x4096x128xf32, #tpu.memory_space<hbm>> -> memref<1x128x128xf32, #tpu.memory_space<hbm>>
      %dma_start3A_103 = tpu.memref_squeeze %dma_start3A_102 : memref<1x128x128xf32, #tpu.memory_space<hbm>> -> memref<128x128xf32, #tpu.memory_space<hbm>>
      %dma_start3A_104 = arith.constant 0 : i32
      %dma_start3A_105 = tpu.memref_slice %arg4[%add3A_86, %mul3A_2, %dma_start3A_104] : memref<50x4096x128xf32, #tpu.memory_space<hbm>> -> memref<1x128x128xf32, #tpu.memory_space<hbm>>
      %dma_start3A_106 = tpu.memref_squeeze %dma_start3A_105 : memref<1x128x128xf32, #tpu.memory_space<hbm>> -> memref<128x128xf32, #tpu.memory_space<hbm>>
      tpu.enqueue_dma source(%arg8 : memref<128x128xf32, #tpu.memory_space<vmem>>) target(%dma_start3A_106 : memref<128x128xf32, #tpu.memory_space<hbm>>) target_semaphore(%arg18 : memref<!tpu.dma_semaphore, #tpu.memory_space<semaphore_mem>>)
      %add3A_107 = arith.constant 3 : i32
      %add3A_108 = arith.addi %mul3A_43, %add3A_107 : i32
      %add3A_109 = arith.constant 4 : i32
      %add3A_110 = arith.addi %add3A_108, %add3A_109 : i32
      %lt3A_111 = arith.constant 50 : i32
      %lt3A_112 = arith.cmpi slt, %add3A_110, %lt3A_111 : i32
      %convert_element_type3A_113 = arith.extui %lt3A_112 : i1 to i32
      %cond3A_114 = arith.constant 0 : i32
      %cond3A_115 = arith.cmpi ne, %convert_element_type3A_113, %cond3A_114 : i32
      scf.if %cond3A_115 {
        %ge3A = arith.constant 1 : i32
        %ge3A_151 = arith.cmpi sge, %add3A_108, %ge3A : i32
        %convert_element_type3A_152 = arith.extui %ge3A_151 : i1 to i32
        %cond3A_153 = arith.constant 0 : i32
        %cond3A_154 = arith.cmpi ne, %convert_element_type3A_152, %cond3A_153 : i32
        scf.if %cond3A_154 {
          %dma_wait3A_163 = arith.constant 0 : i32
          %dma_wait3A_164 = arith.constant 0 : i32
          %dma_wait3A_165 = tpu.memref_slice %arg4[%dma_wait3A_163, %mul3A_2, %dma_wait3A_164] : memref<50x4096x128xf32, #tpu.memory_space<hbm>> -> memref<1x128x128xf32, #tpu.memory_space<hbm>>
          %dma_wait3A_166 = tpu.memref_squeeze %dma_wait3A_165 : memref<1x128x128xf32, #tpu.memory_space<hbm>> -> memref<128x128xf32, #tpu.memory_space<hbm>>
          %dma_wait3A_167 = arith.constant 0 : i32
          %dma_wait3A_168 = tpu.memref_slice %arg4[%dma_wait3A_163, %mul3A_2, %dma_wait3A_167] : memref<50x4096x128xf32, #tpu.memory_space<hbm>> -> memref<1x128x128xf32, #tpu.memory_space<hbm>>
          %dma_wait3A_169 = tpu.memref_squeeze %dma_wait3A_168 : memref<1x128x128xf32, #tpu.memory_space<hbm>> -> memref<128x128xf32, #tpu.memory_space<hbm>>
          tpu.wait_dma2 semaphore(%arg18 : memref<!tpu.dma_semaphore, #tpu.memory_space<semaphore_mem>>) src(%arg8 : memref<128x128xf32, #tpu.memory_space<vmem>>) dst(%dma_wait3A_169 : memref<128x128xf32, #tpu.memory_space<hbm>>)
        } else {
        }
        %add3A_155 = arith.constant 4 : i32
        %add3A_156 = arith.addi %add3A_108, %add3A_155 : i32
        %dma_start3A_157 = arith.constant 0 : i32
        %dma_start3A_158 = tpu.memref_slice %arg5[%add3A_156, %dma_start3A_157] : memref<50x128xi32, #tpu.memory_space<vmem>> -> memref<1x128xi32, #tpu.memory_space<vmem>>
        %dma_start3A_159 = tpu.memref_squeeze %dma_start3A_158 : memref<1x128xi32, #tpu.memory_space<vmem>> -> memref<128xi32, #tpu.memory_space<vmem>>
        %dma_start3A_160 = arith.constant 0 : i32
        %dma_start3A_161 = arith.constant 0 : i32
        %dma_start3A_162 = tpu.memref_slice %arg3[%dma_start3A_160, %dma_start3A_161] : memref<100000x128xf32, #tpu.memory_space<hbm>> -> memref<100000x128xf32, #tpu.memory_space<hbm>>
        tpu.enqueue_indirect_dma source(%dma_start3A_162 : memref<100000x128xf32, #tpu.memory_space<hbm>>) target(%arg8 : memref<128x128xf32, #tpu.memory_space<vmem>>) offsets(%dma_start3A_159 : memref<128xi32, #tpu.memory_space<vmem>>) semaphore(%arg13 : memref<!tpu.dma_semaphore, #tpu.memory_space<semaphore_mem>>)
      } else {
      }
      %dma_wait3A_116 = arith.constant 0 : i32
      %dma_wait3A_117 = arith.constant 0 : i32
      %dma_wait3A_118 = tpu.memref_slice %arg5[%dma_wait3A_116, %dma_wait3A_117] : memref<50x128xi32, #tpu.memory_space<vmem>> -> memref<1x128xi32, #tpu.memory_space<vmem>>
      %dma_wait3A_119 = tpu.memref_squeeze %dma_wait3A_118 : memref<1x128xi32, #tpu.memory_space<vmem>> -> memref<128xi32, #tpu.memory_space<vmem>>
      %dma_wait3A_120 = arith.constant 0 : i32
      %dma_wait3A_121 = arith.constant 0 : i32
      %dma_wait3A_122 = tpu.memref_slice %arg3[%dma_wait3A_120, %dma_wait3A_121] : memref<100000x128xf32, #tpu.memory_space<hbm>> -> memref<100000x128xf32, #tpu.memory_space<hbm>>
      tpu.wait_indirect_dma semaphore(%arg14 : memref<!tpu.dma_semaphore, #tpu.memory_space<semaphore_mem>>) src(%dma_wait3A_122 : memref<100000x128xf32, #tpu.memory_space<hbm>>) dst(%arg9 : memref<128x128xf32, #tpu.memory_space<vmem>>)
      %dma_start3A_123 = arith.constant 0 : i32
      %dma_start3A_124 = tpu.memref_slice %arg4[%add3A_108, %mul3A_2, %dma_start3A_123] : memref<50x4096x128xf32, #tpu.memory_space<hbm>> -> memref<1x128x128xf32, #tpu.memory_space<hbm>>
      %dma_start3A_125 = tpu.memref_squeeze %dma_start3A_124 : memref<1x128x128xf32, #tpu.memory_space<hbm>> -> memref<128x128xf32, #tpu.memory_space<hbm>>
      %dma_start3A_126 = arith.constant 0 : i32
      %dma_start3A_127 = tpu.memref_slice %arg4[%add3A_108, %mul3A_2, %dma_start3A_126] : memref<50x4096x128xf32, #tpu.memory_space<hbm>> -> memref<1x128x128xf32, #tpu.memory_space<hbm>>
      %dma_start3A_128 = tpu.memref_squeeze %dma_start3A_127 : memref<1x128x128xf32, #tpu.memory_space<hbm>> -> memref<128x128xf32, #tpu.memory_space<hbm>>
      tpu.enqueue_dma source(%arg9 : memref<128x128xf32, #tpu.memory_space<vmem>>) target(%dma_start3A_128 : memref<128x128xf32, #tpu.memory_space<hbm>>) target_semaphore(%arg19 : memref<!tpu.dma_semaphore, #tpu.memory_space<semaphore_mem>>)
      %add3A_129 = arith.constant 4 : i32
      %add3A_130 = arith.addi %mul3A_43, %add3A_129 : i32
      %add3A_131 = arith.constant 4 : i32
      %add3A_132 = arith.addi %add3A_130, %add3A_131 : i32
      %lt3A_133 = arith.constant 50 : i32
      %lt3A_134 = arith.cmpi slt, %add3A_132, %lt3A_133 : i32
      %convert_element_type3A_135 = arith.extui %lt3A_134 : i1 to i32
      %cond3A_136 = arith.constant 0 : i32
      %cond3A_137 = arith.cmpi ne, %convert_element_type3A_135, %cond3A_136 : i32
      scf.if %cond3A_137 {
        %ge3A = arith.constant 1 : i32
        %ge3A_151 = arith.cmpi sge, %add3A_130, %ge3A : i32
        %convert_element_type3A_152 = arith.extui %ge3A_151 : i1 to i32
        %cond3A_153 = arith.constant 0 : i32
        %cond3A_154 = arith.cmpi ne, %convert_element_type3A_152, %cond3A_153 : i32
        scf.if %cond3A_154 {
          %dma_wait3A_163 = arith.constant 0 : i32
          %dma_wait3A_164 = arith.constant 0 : i32
          %dma_wait3A_165 = tpu.memref_slice %arg4[%dma_wait3A_163, %mul3A_2, %dma_wait3A_164] : memref<50x4096x128xf32, #tpu.memory_space<hbm>> -> memref<1x128x128xf32, #tpu.memory_space<hbm>>
          %dma_wait3A_166 = tpu.memref_squeeze %dma_wait3A_165 : memref<1x128x128xf32, #tpu.memory_space<hbm>> -> memref<128x128xf32, #tpu.memory_space<hbm>>
          %dma_wait3A_167 = arith.constant 0 : i32
          %dma_wait3A_168 = tpu.memref_slice %arg4[%dma_wait3A_163, %mul3A_2, %dma_wait3A_167] : memref<50x4096x128xf32, #tpu.memory_space<hbm>> -> memref<1x128x128xf32, #tpu.memory_space<hbm>>
          %dma_wait3A_169 = tpu.memref_squeeze %dma_wait3A_168 : memref<1x128x128xf32, #tpu.memory_space<hbm>> -> memref<128x128xf32, #tpu.memory_space<hbm>>
          tpu.wait_dma2 semaphore(%arg19 : memref<!tpu.dma_semaphore, #tpu.memory_space<semaphore_mem>>) src(%arg9 : memref<128x128xf32, #tpu.memory_space<vmem>>) dst(%dma_wait3A_169 : memref<128x128xf32, #tpu.memory_space<hbm>>)
        } else {
        }
        %add3A_155 = arith.constant 4 : i32
        %add3A_156 = arith.addi %add3A_130, %add3A_155 : i32
        %dma_start3A_157 = arith.constant 0 : i32
        %dma_start3A_158 = tpu.memref_slice %arg5[%add3A_156, %dma_start3A_157] : memref<50x128xi32, #tpu.memory_space<vmem>> -> memref<1x128xi32, #tpu.memory_space<vmem>>
        %dma_start3A_159 = tpu.memref_squeeze %dma_start3A_158 : memref<1x128xi32, #tpu.memory_space<vmem>> -> memref<128xi32, #tpu.memory_space<vmem>>
        %dma_start3A_160 = arith.constant 0 : i32
        %dma_start3A_161 = arith.constant 0 : i32
        %dma_start3A_162 = tpu.memref_slice %arg3[%dma_start3A_160, %dma_start3A_161] : memref<100000x128xf32, #tpu.memory_space<hbm>> -> memref<100000x128xf32, #tpu.memory_space<hbm>>
        tpu.enqueue_indirect_dma source(%dma_start3A_162 : memref<100000x128xf32, #tpu.memory_space<hbm>>) target(%arg9 : memref<128x128xf32, #tpu.memory_space<vmem>>) offsets(%dma_start3A_159 : memref<128xi32, #tpu.memory_space<vmem>>) semaphore(%arg14 : memref<!tpu.dma_semaphore, #tpu.memory_space<semaphore_mem>>)
      } else {
      }
      %dma_wait3A_138 = arith.constant 0 : i32
      %dma_wait3A_139 = arith.constant 0 : i32
      %dma_wait3A_140 = tpu.memref_slice %arg5[%dma_wait3A_138, %dma_wait3A_139] : memref<50x128xi32, #tpu.memory_space<vmem>> -> memref<1x128xi32, #tpu.memory_space<vmem>>
      %dma_wait3A_141 = tpu.memref_squeeze %dma_wait3A_140 : memref<1x128xi32, #tpu.memory_space<vmem>> -> memref<128xi32, #tpu.memory_space<vmem>>
      %dma_wait3A_142 = arith.constant 0 : i32
      %dma_wait3A_143 = arith.constant 0 : i32
      %dma_wait3A_144 = tpu.memref_slice %arg3[%dma_wait3A_142, %dma_wait3A_143] : memref<100000x128xf32, #tpu.memory_space<hbm>> -> memref<100000x128xf32, #tpu.memory_space<hbm>>
      tpu.wait_indirect_dma semaphore(%arg15 : memref<!tpu.dma_semaphore, #tpu.memory_space<semaphore_mem>>) src(%dma_wait3A_144 : memref<100000x128xf32, #tpu.memory_space<hbm>>) dst(%arg10 : memref<128x128xf32, #tpu.memory_space<vmem>>)
      %dma_start3A_145 = arith.constant 0 : i32
      %dma_start3A_146 = tpu.memref_slice %arg4[%add3A_130, %mul3A_2, %dma_start3A_145] : memref<50x4096x128xf32, #tpu.memory_space<hbm>> -> memref<1x128x128xf32, #tpu.memory_space<hbm>>
      %dma_start3A_147 = tpu.memref_squeeze %dma_start3A_146 : memref<1x128x128xf32, #tpu.memory_space<hbm>> -> memref<128x128xf32, #tpu.memory_space<hbm>>
      %dma_start3A_148 = arith.constant 0 : i32
      %dma_start3A_149 = tpu.memref_slice %arg4[%add3A_130, %mul3A_2, %dma_start3A_148] : memref<50x4096x128xf32, #tpu.memory_space<hbm>> -> memref<1x128x128xf32, #tpu.memory_space<hbm>>
      %dma_start3A_150 = tpu.memref_squeeze %dma_start3A_149 : memref<1x128x128xf32, #tpu.memory_space<hbm>> -> memref<128x128xf32, #tpu.memory_space<hbm>>
      tpu.enqueue_dma source(%arg10 : memref<128x128xf32, #tpu.memory_space<vmem>>) target(%dma_start3A_150 : memref<128x128xf32, #tpu.memory_space<hbm>>) target_semaphore(%arg20 : memref<!tpu.dma_semaphore, #tpu.memory_space<semaphore_mem>>)
    }
    %scan3A_34 = arith.constant 10 : i32
    %dma_wait3A = arith.constant 0 : i32
    %dma_wait3A_35 = arith.constant 0 : i32
    %dma_wait3A_36 = tpu.memref_slice %arg4[%dma_wait3A, %mul3A_2, %dma_wait3A_35] : memref<50x4096x128xf32, #tpu.memory_space<hbm>> -> memref<1x128x128xf32, #tpu.memory_space<hbm>>
    %dma_wait3A_37 = tpu.memref_squeeze %dma_wait3A_36 : memref<1x128x128xf32, #tpu.memory_space<hbm>> -> memref<128x128xf32, #tpu.memory_space<hbm>>
    %dma_wait3A_38 = arith.constant 0 : i32
    %dma_wait3A_39 = tpu.memref_slice %arg4[%dma_wait3A, %mul3A_2, %dma_wait3A_38] : memref<50x4096x128xf32, #tpu.memory_space<hbm>> -> memref<1x128x128xf32, #tpu.memory_space<hbm>>
    %dma_wait3A_40 = tpu.memref_squeeze %dma_wait3A_39 : memref<1x128x128xf32, #tpu.memory_space<hbm>> -> memref<128x128xf32, #tpu.memory_space<hbm>>
    tpu.wait_dma2 semaphore(%arg20 : memref<!tpu.dma_semaphore, #tpu.memory_space<semaphore_mem>>) src(%arg10 : memref<128x128xf32, #tpu.memory_space<vmem>>) dst(%dma_wait3A_40 : memref<128x128xf32, #tpu.memory_space<hbm>>)
    return
  }
}

</mosaic_0001>

<sc_bundles>
// kernel: kernel.3.cloned.1.call-start
scs
__scs_entry_jumppad:
0x0: {  	(pc) =	sbr.rel $0x88, $3  }
0x1: {  	(tag) =	ssettag $0x0;
	lr =	simm.s32 $0x1  }
0x2: {  	[smem:$0x3F9F] =	sst lr;
	_ =	strace $0xD0000000  }
0x3: {  	_ = 	snop  }
0x4: {  	_ = 	snop  }
0x5: {  	_ = 	snop  }
0x6: {  	_ = 	snop  }
0x7: {  	_ = 	snop  }
__scs_overlays_trampoline_lowered:
0x8: {  	[smem:$0x3FAE] =	sst s0  }
0x9: {  	[smem:$0x3FAF] =	sst s1  }
0xa: {  	[smem:$0x3FB0] =	sst s2  }
0xb: {  	[smem:$0x3FB1] =	sst s3  }
0xc: {  	[smem:$0x3FB2] =	sst s4  }
0xd: {  	[smem:$0x3FB3] =	sst s5  }
0xe: {  	[smem:$0x3FB4] =	sst s6  }
0xf: {  	[smem:$0x3FB5] =	sst s7  }
0x10: {  	[smem:$0x3FB6] =	sst s8  }
0x11: {  	[smem:$0x3FB7] =	sst s9;
	s0 =	simm.s32 @!p0 $0x0  }
0x12: {  	s1 =	sld [smem:$0x3F9D];
	s0 =	simm.s32 @p0 $0x1  }
0x13: {  	[smem:$0x3FB8] =	sst s0;
	s0 =	simm.s32 @!p1 $0x0  }
0x14: {  	s2 =	sld [smem:$0x3F9C];
	s0 =	simm.s32 @p1 $0x1  }
0x15: {  	[smem:$0x3FB9] =	sst s0;
	s0 =	simm.s32 @!p2 $0x0  }
0x16: {  	s3 =	sld [smem:$0x3FDB];
	s0 =	simm.s32 @p2 $0x1  }
0x17: {  	s4 =	simm.s32 $0x1BF5;
	[smem:$0x3FBB] =	sst s0  }
0x18: {  	s0 =	sld [smem:$0x3F9E];
	_ =	swait.ge [sflag:s4], $0x0  }
0x19: {  	s7 =	sld [smem:$0x3F9F]  }
0x1a: {  	s8 =	sadd.s32 $0xFFFFE003, lr  }
0x1b: {  	s9 =	sadd.s32 $0xFFFFFEF7, lr;
	s5 =	simm.s32 $0xFFFFFFFF;
	p2 =	slt.u32 s8, $0xFFFFF086  }
0x1c: {  	p1 =	slt.u32 s9, $0xF7A;
	s5 =	simm.s32 @!p2 $0x0  }
0x1d: {  	s5 =	simm.s32 @p1 $0x1;
	p0 =	seq.s32 s7, s2  }
0x1e: {  	s7 =	smul.u32 @!p0 $0xF7A, s2;
	p2 =	seq.s32 @!p0 s5, $0x0  }
0x1f: {  	s9 =	smul.u32 $0xF7A, s1;
	s8 =	simm.s32 @!p0 $0x1BF5;
	p2 =	por !p2, p0  }
0x20: {  	[sflag:s8] =	ssyncset.s32 @!p0 $0xFFFFF086;
	s6 =	sadd.s32 @!p0 s3, s7;
	s7 =	simm.s32 @!p0 $0x108  }
0x21: {  	s3 =	sadd.s32 s3, s9;
	s6 =	sadd.s32 @!p0 $0x88, s6;
	s7 =	simm.s32 @p2 $0x1082  }
0x22: {  	[simem:s7], [sflag:s8] =	dma.local @!p0 [hbm:s6], $0xF7A  }
0x23: {  	s9 =	sor.u32 $0xD0000000, s2;
	s6 =	simm.s32 $0x108;
	_ =	swait.ge @!p0 [sflag:s8], $0x0  }
0x24: {  	s3 =	sadd.s32 $0x88, s3;
	s6 =	simm.s32 @!p1 $0x1082;
	[sflag:s4] =	ssyncset.s32 $0xFFFFF086  }
0x25: {  	[simem:s6], [sflag:s4] =	dma.local [hbm:s3], $0xF7A  }
0x26: {  	[smem:$0x3F9F] =	sst s1;
	(tag) =	ssettag s2;
	_ =	strace s9  }
0x27: {  	s1 =	sld [smem:$0x3FAF]  }
0x28: {  	s2 =	sld [smem:$0x3FB0]  }
0x29: {  	s4 =	sld [smem:$0x3FB2]  }
0x2a: {  	p0 =	seq.s32 s5, $0x0;
	s5 =	sld [smem:$0x3FB3]  }
0x2b: {  	s6 =	sld [smem:$0x3FB4]  }
0x2c: {  	s7 =	sld [smem:$0x3FB5]  }
0x2d: {  	s3 =	simm.s32 $0x108;
	s8 =	sld [smem:$0x3FB6]  }
0x2e: {  	s3 =	simm.s32 @!p0 $0x1082;
	s9 =	sld [smem:$0x3FB7]  }
0x2f: {  	lr =	sadd.s32 s0, s3;
	s0 =	sld [smem:$0x3FAE]  }
0x30: {  	s3 =	sld [smem:$0x3FB1]  }
0x31: {  	[smem:$0x3FBA] =	sst s10  }
0x32: {  	s10 =	sld [smem:$0x3FB8];
	_ =	sdelay $0x3  }
0x33: {  	p0 =	seq.s32 s10, $0x1;
	s10 =	sld [smem:$0x3FBA];
	_ =	sdelay $0x3  }
0x34: {  	[smem:$0x3FBA] =	sst s10  }
0x35: {  	s10 =	sld [smem:$0x3FB9];
	_ =	sdelay $0x3  }
0x36: {  	p1 =	seq.s32 s10, $0x1;
	s10 =	sld [smem:$0x3FBA];
	_ =	sdelay $0x3  }
0x37: {  	[smem:$0x3FBA] =	sst s10  }
0x38: {  	s10 =	sld [smem:$0x3FBB]  }
0x39: {  	_ = 	snop;
	(pc) =	sbr.ind lr, $3  }
0x3a: {  	_ = 	snop  }
0x3b: {  	_ = 	snop  }
0x3c: {  	p2 =	seq.s32 s10, $0x1;
	s10 =	sld [smem:$0x3FBA]  }
0x3d: {  	_ =	shalt  }
0x3e: {  	_ =	shalt  }
0x3f: {  	_ =	shalt  }
0x40: {  	_ =	shalt  }
0x41: {  	_ =	shalt  }
0x42: {  	_ =	shalt  }
0x43: {  	_ =	shalt  }
0x44: {  	_ =	shalt  }
0x45: {  	_ =	shalt  }
0x46: {  	_ =	shalt  }
0x47: {  	_ =	shalt  }
0x48: {  	_ =	shalt  }
0x49: {  	_ =	shalt  }
0x4a: {  	_ =	shalt  }
0x4b: {  	_ =	shalt  }
0x4c: {  	_ =	shalt  }
0x4d: {  	_ =	shalt  }
0x4e: {  	_ =	shalt  }
0x4f: {  	_ =	shalt  }
0x50: {  	_ =	shalt  }
0x51: {  	_ =	shalt  }
0x52: {  	_ =	shalt  }
0x53: {  	_ =	shalt  }
0x54: {  	_ =	shalt  }
0x55: {  	_ =	shalt  }
0x56: {  	_ =	shalt  }
0x57: {  	_ =	shalt  }
0x58: {  	_ =	shalt  }
0x59: {  	_ =	shalt  }
0x5a: {  	_ =	shalt  }
0x5b: {  	_ =	shalt  }
0x5c: {  	_ =	shalt  }
0x5d: {  	_ =	shalt  }
0x5e: {  	_ =	shalt  }
0x5f: {  	_ =	shalt  }
0x60: {  	_ =	shalt  }
0x61: {  	_ =	shalt  }
0x62: {  	_ =	shalt  }
0x63: {  	_ =	shalt  }
0x64: {  	_ =	shalt  }
0x65: {  	_ =	shalt  }
0x66: {  	_ =	shalt  }
0x67: {  	_ =	shalt  }
0x68: {  	_ =	shalt  }
0x69: {  	_ =	shalt  }
0x6a: {  	_ =	shalt  }
0x6b: {  	_ =	shalt  }
0x6c: {  	_ =	shalt  }
0x6d: {  	_ =	shalt  }
0x6e: {  	_ =	shalt  }
0x6f: {  	_ =	shalt  }
0x70: {  	_ =	shalt  }
0x71: {  	_ =	shalt  }
0x72: {  	_ =	shalt  }
0x73: {  	_ =	shalt  }
0x74: {  	_ =	shalt  }
0x75: {  	_ =	shalt  }
0x76: {  	_ =	shalt  }
0x77: {  	_ =	shalt  }
0x78: {  	_ =	shalt  }
0x79: {  	_ =	shalt  }
0x7a: {  	_ =	shalt  }
0x7b: {  	_ =	shalt  }
0x7c: {  	_ =	shalt  }
0x7d: {  	_ =	shalt  }
0x7e: {  	_ =	shalt  }
0x7f: {  	_ =	shalt  }
0x80: {  	_ =	shalt  }
0x81: {  	_ =	shalt  }
0x82: {  	_ =	shalt  }
0x83: {  	_ =	shalt  }
0x84: {  	_ =	shalt  }
0x85: {  	_ =	shalt  }
0x86: {  	_ =	shalt  }
0x87: {  	_ =	shalt  }
.Lfunc_end0:
.L_simem_size_0:
called_computation_lowered:
.L_overlay_start_0:
0x88: {  	s2 =	sld [smem:$0x3FD9]  }
0x89: {  	s3 =	sld [smem:$0x3FFE];
	_ =	sdelay $0x1  }
0x8a: {  	s1 =	srdreg.scid  }
0x8b: {  	s0 =	sand.u32 $0x1, s1  }
0x8c: {  	s18 =	sshll.u32 s0, $0xA;
	s2 =	sadd.s32 s3, s2  }
0x8d: {  	s2 =	sadd.s32 s2, s18  }
0x8e: {  	[smem:$0x3FC6] =	sst s2  }
0x8f: {  	_ = 	snop  }
0x90: {  	s2 =	sld [smem:$0x3FC9]  }
0x91: {  	s19 =	sld [smem:$0x3FC8]  }
0x92: {  	s4 =	sld [smem:$0x3FD0];
	(tm) =	ssettm $0x1  }
0x93: {  	s5 =	sld [smem:$0x3FFB];
	_ =	sdelay $0x3  }
0x94: {  	_ =	strace s5  }
0x95: {  	s5 =	sld [smem:$0x3FFC];
	_ =	sdelay $0x3  }
0x96: {  	_ =	strace s5  }
0x97: {  	s5 =	sld [smem:$0x3FFD];
	_ =	sdelay $0x3  }
0x98: {  	_ =	strace s5  }
0x99: {  	_ =	strace $0x8FFFFFFF  }
0x9a: {  	s20 =	sld [smem:$0x3FDB];
	_ =	sdelay $0x1  }
0x9b: {  	s6 =	simm.s32 $_scs_section_size  }
0x9c: {  	s7 =	simm.s32 $_size__tile_overlayer_lowered;
	s8 =	simm.s32 $_tile_overlayer_lowered  }
0x9d: {  	s23 =	simm.s32 $0x1BFF;
	s22 =	sshll.u32 s8, $0x1;
	s5 =	sadd.s32 s6, s20  }
0x9e: {  	s9 =	simm.s32 $0x0;
	s21 =	sshll.u32 s7, $0x1;
	s7 =	sadd.s32 s22, s5  }
0x9f: {  	[timem:s9], [sflag:s23] =	dma.local [hbm:s7], s21  }
0xa0: {  	_ =	swait.ge [sflag:s23], s21  }
0xa1: {  	s6 =	ssub.s32 $0x0, s21;
	[sflag:s23] =	ssyncset.done $0x0  }
0xa2: {  	[sflag:s23] =	ssyncadd.s32 s6;
	_ =	sdelay $0x1  }
0xa3: {  	s24 =	simm.s32 $0x1B8B  }
0xa4: {  	_ =	swait.ge [sflag:s24], $0x1  }
0xa5: {  	[sflag:s24] =	ssyncset.done $0x0  }
0xa6: {  	s25 =	simm.s32 $0x1B8E;
	[sflag:s24] =	ssyncadd.s32 $0xFFFFFFFF  }
0xa7: {  	s26 =	simm.s32 $execute0_lowered;
	[smem:$0x3FD2] =	sst s25  }
0xa8: {  	s6 =	sshll.u32 s26, $0x1;
	_ =	strace $0x80000046;
	[dreg:$0x1] =	wrdreg $0xFFFFFFFF  }
0xa9: {  	s28 =	simm.s32 $_size_execute0_lowered;
	s5 =	sadd.s32 s5, s6;
	[dreg:$0x0] =	wrdreg $0x0  }
0xaa: {  	s6 =	sshll.u32 s28, $0x1;
	[dreg:$0x2] =	wrdreg s5  }
0xab: {  	[dreg:$0x3] =	wrdreg s6  }
0xac: {  	[dreg:$0x4] =	wrdreg $0xC0  }
0xad: {  	_ =	task [dreg:s9], $0x5FFFF  }
0xae: {  	[dreg:$0x1] =	wrdreg $0xFFFFFFFF  }
0xaf: {  	[dreg:$0x0] =	wrdreg $0x60  }
0xb0: {  	[dreg:$0x2] =	wrdreg s2  }
0xb1: {  	[dreg:$0x3] =	wrdreg s19  }
0xb2: {  	[dreg:$0x4] =	wrdreg s4  }
0xb3: {  	[dreg:$0x5] =	wrdreg $0x9  }
0xb4: {  	_ =	task.clear_ibuf [dreg:s9], $0x6FFFF;
	_ =	strace $0x90000046  }
0xb5: {  	s29 =	simm.s32 $0x9;
	_ =	strace $0x80000048  }
0xb6: {  	_ =	swait.ge [sflag:s29], $0x1  }
0xb7: {  	[sflag:s29] =	ssyncadd.s32 $0xFFFFFFFF  }
0xb8: {  	_ =	strace $0x90000048  }
0xb9: {  	_ =	sfence  }
0xba: {  	s30 =	sld [smem:$0x0];
	_ =	sdelay $0x2  }
0xbb: {  	s31 =	sshll.u32 s1, $0xD;
	s1 =	sshrl.u32 s1, $0x2  }
0xbc: {  	s3 =	sand.u32 $0x4000, s31;
	s1 =	sadd.s32 s1, s30  }
0xbd: {  	s0 =	sor.u32 s3, s0;
	s1 =	sshll.u32 s1, $0x11  }
0xbe: {  	s0 =	sor.u32 s1, s0  }
0xbf: {  	s0 =	sadd.s32 $0x8F2B, s0  }
0xc0: {  	[sflag:s0] =	ssyncadd.remote.s32 $0x1  }
0xc1: {  	_ =	sfence.sel $0xFFFF  }
0xc2: {  	[dreg:$0x0] =	wrdreg $0xFFFFFFFF;
	(pc) =	sbr.abs _section_cstart, $3  }
0xc3: {  	[dreg:$0x1] =	wrdreg $0xFFFFFFFF  }
0xc4: {  	_ =	task.clear_ibuf [dreg:s9], $0x2FFFF;
	_ =	strace $0x9FFFFFFF  }
0xc5: {  	(tm) =	ssettm $0x7FFFFFFF  }
tec
execute0_lowered:
.L_overlay_start_1:
0x0: {  	(tag) =	ssettag $0x1  }
0x1: {  	s0 =	rddreg [dreg:$0x0]  }
0x2: {  	s1 =	rddreg [dreg:$0x1]  }
0x3: {  	s2 =	rddreg [dreg:$0x2];
	s4 =	srdreg.scid;
	s3 =	simm.s32 $0x0  }
0x4: {  	s9 =	stileid.u32;
	s16 =	simm.s32 $0x80;
	s17 =	simm.s32 $0x1C00  }
0x5: {  	s20 =	simm.s32 $0x9C00;
	s29 =	simm.s32 $0x0;
	s6 =	sand.u32 $0x1, s4  }
0x6: {  	[smem:$0x7FF] =	sst s3;
	s21 =	sshll.u32 s9, $0x8;
	s9 =	sshll.u32 s9, $0xF  }
0x7: {  	s5 =	sshll.u32 s6, $0x7;
	_ =	strace $0x80000047;
	s7 =	ssub.s32 $0x2, s6  }
0x8: {  	s10 =	sshll.u32 s6, $0xE;
	s5 =	sor.u32 s5, s21;
	s8 =	sshrl.u32 s7, $0x1  }
0x9: {  	s9 =	sor.u32 s10, s9;
	s4 =	sadd.s32 s0, s5;
	s22 =	sshll.u32 s5, $0x4  }
0xa: {  	s7 =	ssub.s32 s7, s8;
	s25 =	sor.u32 $0x180000, s9;
	s26 =	sor.u32 $0x100000, s9  }
0xb: {  	s30 =	sor.u32 $0x80000, s9;
	s10 =	sshrl.u32 s9, $0x3;
	s11 =	sor.u32 $0x200000, s9  }
0xc: {  	[dreg:$0x6] =	wrdreg s4;
	s4 =	sadd.s32 $0x6000, s4;
	s0 =	sadd.s32 s22, s2  }
0xd: {  	s24 =	smax.u32 s7, $0x1;
	s28 =	sshrl.u32 s25, $0x3;
	s8 =	sshrl.u32 s26, $0x3  }
0xe: {  	s10 =	sadd.s32 s10, s2;
	s31 =	sshrl.u32 s11, $0x3;
	s25 =	simm.s32 $0x3  }
0xf: {  	s26 =	simm.s32 $0x5;
	[dreg:$0x7] =	wrdreg s4;
	s23 =	sadd.s32 $0x2E0000, s0  }
0x10: {  	[dreg:$0x8] =	wrdreg s24;
	s0 =	sadd.s32 $0x300000, s0;
	s8 =	sadd.s32 s8, s2  }
0x11: {  	s18 =	sadd.s32 s31, s2;
	[dreg:$0x5] =	wrdreg s0;
	s0 =	sadd.s32 s28, s2  }
0x12: {  	s24 =	simm.s32 $0x1;
	[dreg:$0x9] =	wrdreg s0;
	s0 =	sshrl.u32 s30, $0x3  }
0x13: {  	[dreg:$0x4] =	wrdreg s23;
	s23 =	simm.s32 $0x11C00;
	s9 =	sadd.s32 s0, s2  }
.LBB2_1:
0x14: {  	s0 =	rddreg [dreg:$0x6];
	s2 =	simm.s32 $0x400;
	s4 =	simm.s32 $0x8000  }
0x15: {  	[tilespmem:s3], [sflag:$0xB] =	stream.strided.gather [hbm4b:s0+s2], $0x1800, s4, s2, $0x38;
	[tilespmem:$0x15C00] =	vst v63  }
0x16: {  	s12 =	rddreg [dreg:$0x7];
	s13 =	simm.s32 $0x1800;
	s14 =	simm.s32 $0xB  }
0x17: {  	[tilespmem:s13], [sflag:$0xB] =	stream.linear.gather [hbm4b:s12+s3], $0x100, $0x38;
	[tilespmem:$0x15C00] =	vst v63  }
0x18: {  	_ =	swait.ge [sflag:s14], $0x1900  }
0x19: {  	[sflag:s14] =	ssyncset.done $0x0  }
0x1a: {  	[sflag:s14] =	ssyncadd.s32 $0xFFFFE700  }
0x1b: {  	[tilespmem:s17], [sflag:$0x1] =	stream.indirect.gather [hbm4b:s1+s16], $0x80, s3, s16, $0xb8;
	[tilespmem:$0x15C00] =	vst v63  }
0x1c: {  	s15 =	simm.s32 $0x5C00  }
0x1d: {  	[tilespmem:s15], [sflag:$0x2] =	stream.indirect.gather [hbm4b:s1+s16], $0x80, s16, s16, $0xb8;
	[tilespmem:$0x15C00] =	vst v63  }
0x1e: {  	s19 =	simm.s32 $0x100;
	p0 =	por $0x1, $0x1  }
0x1f: {  	[tilespmem:s20], [sflag:$0x3] =	stream.indirect.gather [hbm4b:s1+s16], $0x80, s19, s16, $0xb8;
	[tilespmem:$0x15C00] =	vst v63  }
0x20: {  	s21 =	simm.s32 $0x180;
	s22 =	simm.s32 $0xDC00;
	s0 =	simm.s32 @!p0 $0xA  }
0x21: {  	[tilespmem:s22], [sflag:$0x4] =	stream.indirect.gather [hbm4b:s1+s16], $0x80, s21, s16, $0xb8;
	[tilespmem:$0x15C00] =	vst v63  }
0x22: {  	_ =	swait.ge @!p0 [sflag:s0], $0x4000  }
0x23: {  	[sflag:s0] =	ssyncset.done @!p0 $0x0  }
0x24: {  	s28 =	simm.s32 $0x200;
	[sflag:s0] =	ssyncadd.s32 @!p0 $0xFFFFC000  }
0x25: {  	[tilespmem:s23], [sflag:$0x5] =	stream.indirect.gather [hbm4b:s1+s16], $0x80, s28, s16, $0xb8;
	[tilespmem:$0x15C00] =	vst v63  }
0x26: {  	_ =	swait.ge [sflag:s24], $0x4000  }
0x27: {  	p0 =	por $0x0, $0x0;
	[sflag:s24] =	ssyncset.done $0x0  }
0x28: {  	s0 =	simm.s32 @p0 $0x2;
	[sflag:s24] =	ssyncadd.s32 $0xFFFFC000  }
0x29: {  	[hbm4b:s10+s3] =	stream.linear.scatter [tilespmem:s17], [sflag:$0x6], $0x4000, $0x38;
	[tilespmem:$0x15C00] =	vst v63  }
0x2a: {  	_ =	swait.ge @p0 [sflag:s0], $0x4000  }
0x2b: {  	s11 =	simm.s32 @p0 $0x5C00;
	s12 =	simm.s32 @!p0 $0x6;
	[sflag:s0] =	ssyncset.done @p0 $0x0  }
0x2c: {  	s2 =	rddreg [dreg:$0x4];
	[sflag:s0] =	ssyncadd.s32 @p0 $0xFFFFC000;
	s0 =	simm.s32 @p0 $0x0  }
0x2d: {  	[hbm4b:s2+s0] =	stream.linear.scatter @p0 [tilespmem:s11], [sflag:$0x7], $0x4000, $0x38;
	[tilespmem:$0x15C00] =	vst v63  }
0x2e: {  	_ =	swait.ge @!p0 [sflag:s12], $0x4000  }
0x2f: {  	s13 =	simm.s32 @!p0 $0x1C00;
	s2 =	simm.s32 @!p0 $0x280;
	[sflag:s12] =	ssyncset.done @!p0 $0x0  }
0x30: {  	s11 =	simm.s32 @!p0 $0x80;
	[sflag:s12] =	ssyncadd.s32 @!p0 $0xFFFFC000;
	s12 =	simm.s32 @!p0 $0x2  }
0x31: {  	[tilespmem:s13], [sflag:$0x1] =	stream.indirect.gather @!p0 [hbm4b:s1+s11], $0x80, s2, s11, $0xb8;
	[tilespmem:$0x15C00] =	vst v63  }
0x32: {  	_ =	swait.ge @!p0 [sflag:s12], $0x4000  }
0x33: {  	s2 =	simm.s32 @!p0 $0x0;
	[sflag:s12] =	ssyncset.done @!p0 $0x0  }
0x34: {  	s13 =	simm.s32 @!p0 $0x5C00;
	[sflag:s12] =	ssyncadd.s32 @!p0 $0xFFFFC000;
	s12 =	simm.s32 @!p0 $0x7  }
0x35: {  	[hbm4b:s9+s2] =	stream.linear.scatter @!p0 [tilespmem:s13], [sflag:$0x7], $0x4000, $0x38;
	[tilespmem:$0x15C00] =	vst v63  }
0x36: {  	_ =	swait.ge @!p0 [sflag:s12], $0x4000  }
0x37: {  	[sflag:s12] =	ssyncset.done @!p0 $0x0  }
0x38: {  	s14 =	simm.s32 @!p0 $0x300;
	[sflag:s12] =	ssyncadd.s32 @!p0 $0xFFFFC000  }
0x39: {  	[tilespmem:s13], [sflag:$0x2] =	stream.indirect.gather @!p0 [hbm4b:s1+s11], $0x80, s14, s11, $0xb8;
	[tilespmem:$0x15C00] =	vst v63  }
0x3a: {  	_ =	swait.ge [sflag:s25], $0x4000  }
0x3b: {  	[sflag:s25] =	ssyncset.done $0x0  }
0x3c: {  	s12 =	simm.s32 @p0 $0x4;
	[sflag:s25] =	ssyncadd.s32 $0xFFFFC000  }
0x3d: {  	[hbm4b:s8+s3] =	stream.linear.scatter [tilespmem:s20], [sflag:$0x8], $0x4000, $0x38;
	[tilespmem:$0x15C00] =	vst v63  }
0x3e: {  	_ =	swait.ge @p0 [sflag:s12], $0x4000  }
0x3f: {  	s14 =	simm.s32 @!p0 $0x8;
	[sflag:s12] =	ssyncset.done @p0 $0x0  }
0x40: {  	s13 =	rddreg [dreg:$0x5];
	[sflag:s12] =	ssyncadd.s32 @p0 $0xFFFFC000;
	s12 =	simm.s32 @p0 $0xDC00  }
0x41: {  	[hbm4b:s13+s0] =	stream.linear.scatter @p0 [tilespmem:s12], [sflag:$0x9], $0x4000, $0x38;
	[tilespmem:$0x15C00] =	vst v63  }
0x42: {  	_ =	swait.ge @!p0 [sflag:s14], $0x4000  }
0x43: {  	s0 =	simm.s32 @!p0 $0x380;
	[sflag:s14] =	ssyncset.done @!p0 $0x0  }
0x44: {  	s12 =	simm.s32 @!p0 $0x9C00;
	s13 =	simm.s32 @!p0 $0x4;
	[sflag:s14] =	ssyncadd.s32 @!p0 $0xFFFFC000  }
0x45: {  	[tilespmem:s12], [sflag:$0x3] =	stream.indirect.gather @!p0 [hbm4b:s1+s11], $0x80, s0, s11, $0xb8;
	[tilespmem:$0x15C00] =	vst v63  }
0x46: {  	_ =	swait.ge @!p0 [sflag:s13], $0x4000  }
0x47: {  	s19 =	simm.s32 @!p0 $0x9;
	[sflag:s13] =	ssyncset.done @!p0 $0x0  }
0x48: {  	s0 =	simm.s32 @!p0 $0xDC00;
	s4 =	rddreg [dreg:$0x9];
	[sflag:s13] =	ssyncadd.s32 @!p0 $0xFFFFC000  }
0x49: {  	[hbm4b:s4+s2] =	stream.linear.scatter @!p0 [tilespmem:s0], [sflag:$0x9], $0x4000, $0x38;
	[tilespmem:$0x15C00] =	vst v63  }
0x4a: {  	s30 =	sadd.s32 $0x50000, s18;
	_ =	swait.ge @!p0 [sflag:s19], $0x4000  }
0x4b: {  	p1 =	por $0x0, $0x0;
	s14 =	simm.s32 $0x1400;
	[sflag:s19] =	ssyncset.done @!p0 $0x0  }
0x4c: {  	s12 =	sadd.s32 $0x50000, s10;
	s2 =	simm.s32 @!p0 $0x400;
	[sflag:s19] =	ssyncadd.s32 @!p0 $0xFFFFC000  }
0x4d: {  	[tilespmem:s0], [sflag:$0x4] =	stream.indirect.gather @!p0 [hbm4b:s1+s11], $0x80, s2, s11, $0xb8;
	[tilespmem:$0x15C00] =	vst v63  }
0x4e: {  	s13 =	simm.s32 $0xA00;
	s31 =	sadd.s32 $0x50000, s4;
	s0 =	sadd.s32 $0x50000, s8  }
0x4f: {  	s2 =	sadd.s32 $0x50000, s9;
	s11 =	smov.u32 s18;
	_ =	swait.ge [sflag:s26], $0x4000  }
.LBB2_2:
0x50: {  	[sflag:s26] =	ssyncset.done $0x0  }
0x51: {  	s19 =	simm.s32 @!p1 $0xA;
	[sflag:s26] =	ssyncadd.s32 $0xFFFFC000  }
0x52: {  	[hbm4b:s11+s3] =	stream.linear.scatter [tilespmem:s23], [sflag:$0xA], $0x4000, $0x38;
	[tilespmem:$0x15C00] =	vst v63  }
0x53: {  	_ =	swait.ge @!p1 [sflag:s19], $0x4000  }
0x54: {  	s22 =	sshra.s32 s13, $0x2;
	[sflag:s19] =	ssyncset.done @!p1 $0x0  }
0x55: {  	s22 =	sadd.s32 $0x200, s22;
	[sflag:s19] =	ssyncadd.s32 @!p1 $0xFFFFC000  }
0x56: {  	[tilespmem:s23], [sflag:$0x5] =	stream.indirect.gather [hbm4b:s1+s16], $0x80, s22, s16, $0xb8;
	[tilespmem:$0x15C00] =	vst v63  }
0x57: {  	_ =	swait.ge [sflag:s24], $0x4000  }
0x58: {  	s21 =	smov.u32 s14;
	p1 =	seq.s32 s13, $0x5A00;
	[sflag:s24] =	ssyncset.done $0x0  }
0x59: {  	s19 =	simm.s32 @p1 $0x2;
	s13 =	sshra.s32 @!p1 s13, $0x2;
	[sflag:s24] =	ssyncadd.s32 $0xFFFFC000  }
0x5a: {  	[hbm4b:s12+s3] =	stream.linear.scatter [tilespmem:s17], [sflag:$0x6], $0x4000, $0x38;
	[tilespmem:$0x15C00] =	vst v63  }
0x5b: {  	s15 =	simm.s32 @p1 $0x0;
	s28 =	simm.s32 @p1 $0x5C00;
	_ =	swait.ge @p1 [sflag:s19], $0x4000  }
0x5c: {  	s7 =	simm.s32 @!p1 $0x6;
	s5 =	sadd.s32 @!p1 $0x280, s13;
	[sflag:s19] =	ssyncset.done @p1 $0x0  }
0x5d: {  	s6 =	sadd.s32 @!p1 $0x300, s13;
	s4 =	rddreg [dreg:$0x4];
	[sflag:s19] =	ssyncadd.s32 @p1 $0xFFFFC000  }
0x5e: {  	[hbm4b:s4+s15] =	stream.linear.scatter @p1 [tilespmem:s28], [sflag:$0x7], $0x4000, $0x38;
	[tilespmem:$0x15C00] =	vst v63  }
0x5f: {  	s22 =	sadd.s32 @!p1 $0x380, s13;
	s19 =	sadd.s32 @!p1 $0x400, s13;
	_ =	swait.ge @!p1 [sflag:s7], $0x4000  }
0x60: {  	s13 =	smov.u32 s21;
	s21 =	simm.s32 @!p1 $0x80;
	[sflag:s7] =	ssyncset.done @!p1 $0x0  }
0x61: {  	s4 =	simm.s32 @!p1 $0x1C00;
	[sflag:s7] =	ssyncadd.s32 @!p1 $0xFFFFC000;
	s7 =	simm.s32 @!p1 $0x2  }
0x62: {  	[tilespmem:s4], [sflag:$0x1] =	stream.indirect.gather @!p1 [hbm4b:s1+s21], $0x80, s5, s21, $0xb8;
	[tilespmem:$0x15C00] =	vst v63  }
0x63: {  	_ =	swait.ge @!p1 [sflag:s7], $0x4000  }
0x64: {  	s4 =	simm.s32 @!p1 $0x0;
	[sflag:s7] =	ssyncset.done @!p1 $0x0  }
0x65: {  	s5 =	simm.s32 @!p1 $0x5C00;
	[sflag:s7] =	ssyncadd.s32 @!p1 $0xFFFFC000;
	s7 =	simm.s32 @!p1 $0x7  }
0x66: {  	[hbm4b:s2+s4] =	stream.linear.scatter @!p1 [tilespmem:s5], [sflag:$0x7], $0x4000, $0x38;
	[tilespmem:$0x15C00] =	vst v63  }
0x67: {  	_ =	swait.ge @!p1 [sflag:s7], $0x4000  }
0x68: {  	[sflag:s7] =	ssyncset.done @!p1 $0x0  }
0x69: {  	[sflag:s7] =	ssyncadd.s32 @!p1 $0xFFFFC000  }
0x6a: {  	[tilespmem:s5], [sflag:$0x2] =	stream.indirect.gather @!p1 [hbm4b:s1+s21], $0x80, s6, s21, $0xb8;
	[tilespmem:$0x15C00] =	vst v63  }
0x6b: {  	_ =	swait.ge [sflag:s25], $0x4000  }
0x6c: {  	[sflag:s25] =	ssyncset.done $0x0  }
0x6d: {  	s5 =	simm.s32 @p1 $0x4;
	[sflag:s25] =	ssyncadd.s32 $0xFFFFC000  }
0x6e: {  	[hbm4b:s0+s3] =	stream.linear.scatter [tilespmem:s20], [sflag:$0x8], $0x4000, $0x38;
	[tilespmem:$0x15C00] =	vst v63  }
0x6f: {  	_ =	swait.ge @p1 [sflag:s5], $0x4000  }
0x70: {  	s7 =	simm.s32 @!p1 $0x8;
	[sflag:s5] =	ssyncset.done @p1 $0x0  }
0x71: {  	s6 =	rddreg [dreg:$0x5];
	[sflag:s5] =	ssyncadd.s32 @p1 $0xFFFFC000;
	s5 =	simm.s32 @p1 $0xDC00  }
0x72: {  	[hbm4b:s6+s15] =	stream.linear.scatter @p1 [tilespmem:s5], [sflag:$0x9], $0x4000, $0x38;
	[tilespmem:$0x15C00] =	vst v63  }
0x73: {  	_ =	swait.ge @!p1 [sflag:s7], $0x4000  }
0x74: {  	[sflag:s7] =	ssyncset.done @!p1 $0x0  }
0x75: {  	s5 =	simm.s32 @!p1 $0x9C00;
	s6 =	simm.s32 @!p1 $0x4;
	[sflag:s7] =	ssyncadd.s32 @!p1 $0xFFFFC000  }
0x76: {  	[tilespmem:s5], [sflag:$0x3] =	stream.indirect.gather @!p1 [hbm4b:s1+s21], $0x80, s22, s21, $0xb8;
	[tilespmem:$0x15C00] =	vst v63  }
0x77: {  	s14 =	sadd.s32 $0xA00, s14;
	_ =	swait.ge @!p1 [sflag:s6], $0x4000  }
0x78: {  	p0 =	sne.s32 s14, $0x6400;
	[sflag:s6] =	ssyncset.done @!p1 $0x0  }
0x79: {  	s5 =	simm.s32 @!p1 $0xDC00;
	[sflag:s6] =	ssyncadd.s32 @!p1 $0xFFFFC000;
	s6 =	simm.s32 @!p1 $0x9  }
0x7a: {  	[hbm4b:s31+s4] =	stream.linear.scatter @!p1 [tilespmem:s5], [sflag:$0x9], $0x4000, $0x38;
	[tilespmem:$0x15C00] =	vst v63  }
.Ltmp0:
0x7b: {  	s11 =	smov.u32 s30;
	_ =	swait.ge @!p1 [sflag:s6], $0x4000;
	(pc) =	sbr.rel @p0 .LBB2_2-.Ltmp0, $4  }
0x7c: {  	s30 =	sadd.s32 $0x50000, s30;
	s12 =	sadd.s32 $0x50000, s12;
	[sflag:s6] =	ssyncset.done @!p1 $0x0  }
0x7d: {  	s2 =	sadd.s32 $0x50000, s2;
	s0 =	sadd.s32 $0x50000, s0;
	[sflag:s6] =	ssyncadd.s32 @!p1 $0xFFFFC000  }
0x7e: {  	[tilespmem:s5], [sflag:$0x4] =	stream.indirect.gather @!p1 [hbm4b:s1+s21], $0x80, s19, s21, $0xb8;
	[tilespmem:$0x15C00] =	vst v63  }
0x7f: {  	s31 =	sadd.s32 $0x50000, s31;
	p1 =	seq.s32 s13, $0x0;
	_ =	swait.ge [sflag:s26], $0x4000  }
0x80: {  	[sflag:s26] =	ssyncset.done $0x0  }
0x81: {  	s4 =	simm.s32 @!p1 $0xA;
	[sflag:s26] =	ssyncadd.s32 $0xFFFFC000  }
0x82: {  	[hbm4b:s11+s3] =	stream.linear.scatter [tilespmem:s23], [sflag:$0xA], $0x4000, $0x38;
	[tilespmem:$0x15C00] =	vst v63  }
0x83: {  	_ =	swait.ge @!p1 [sflag:s4], $0x4000  }
0x84: {  	s5 =	sshra.s32 s13, $0x2;
	[sflag:s4] =	ssyncset.done @!p1 $0x0  }
0x85: {  	s5 =	sadd.s32 $0x200, s5;
	[sflag:s4] =	ssyncadd.s32 @!p1 $0xFFFFC000  }
0x86: {  	[tilespmem:s23], [sflag:$0x5] =	stream.indirect.gather [hbm4b:s1+s16], $0x80, s5, s16, $0xb8;
	[tilespmem:$0x15C00] =	vst v63  }
0x87: {  	_ =	swait.ge [sflag:s24], $0x4000  }
0x88: {  	p0 =	seq.s32 s13, $0x5A00;
	[sflag:s24] =	ssyncset.done $0x0  }
0x89: {  	s4 =	simm.s32 @p0 $0x2;
	[sflag:s24] =	ssyncadd.s32 $0xFFFFC000  }
0x8a: {  	[hbm4b:s12+s3] =	stream.linear.scatter [tilespmem:s17], [sflag:$0x6], $0x4000, $0x38;
	[tilespmem:$0x15C00] =	vst v63  }
0x8b: {  	_ =	swait.ge @p0 [sflag:s4], $0x4000  }
0x8c: {  	s6 =	simm.s32 @p0 $0x5C00;
	s7 =	simm.s32 @!p0 $0x6;
	[sflag:s4] =	ssyncset.done @p0 $0x0  }
0x8d: {  	s5 =	rddreg [dreg:$0x4];
	[sflag:s4] =	ssyncadd.s32 @p0 $0xFFFFC000;
	s4 =	simm.s32 @p0 $0x0  }
0x8e: {  	[hbm4b:s5+s4] =	stream.linear.scatter @p0 [tilespmem:s6], [sflag:$0x7], $0x4000, $0x38;
	[tilespmem:$0x15C00] =	vst v63  }
0x8f: {  	s11 =	simm.s32 @!p0 $0x80;
	_ =	swait.ge @!p0 [sflag:s7], $0x4000  }
0x90: {  	s12 =	simm.s32 @!p0 $0x1C00;
	s5 =	sshra.s32 @!p0 s13, $0x2;
	[sflag:s7] =	ssyncset.done @!p0 $0x0  }
0x91: {  	s6 =	sadd.s32 @!p0 $0x280, s5;
	[sflag:s7] =	ssyncadd.s32 @!p0 $0xFFFFC000;
	s7 =	simm.s32 @!p0 $0x2  }
0x92: {  	[tilespmem:s12], [sflag:$0x1] =	stream.indirect.gather @!p0 [hbm4b:s1+s11], $0x80, s6, s11, $0xb8;
	[tilespmem:$0x15C00] =	vst v63  }
0x93: {  	_ =	swait.ge @!p0 [sflag:s7], $0x4000  }
0x94: {  	s6 =	simm.s32 @!p0 $0x0;
	[sflag:s7] =	ssyncset.done @!p0 $0x0  }
0x95: {  	s12 =	simm.s32 @!p0 $0x5C00;
	[sflag:s7] =	ssyncadd.s32 @!p0 $0xFFFFC000;
	s7 =	simm.s32 @!p0 $0x7  }
0x96: {  	[hbm4b:s2+s6] =	stream.linear.scatter @!p0 [tilespmem:s12], [sflag:$0x7], $0x4000, $0x38;
	[tilespmem:$0x15C00] =	vst v63  }
0x97: {  	_ =	swait.ge @!p0 [sflag:s7], $0x4000  }
0x98: {  	[sflag:s7] =	ssyncset.done @!p0 $0x0  }
0x99: {  	s2 =	sadd.s32 @!p0 $0x300, s5;
	[sflag:s7] =	ssyncadd.s32 @!p0 $0xFFFFC000  }
0x9a: {  	[tilespmem:s12], [sflag:$0x2] =	stream.indirect.gather @!p0 [hbm4b:s1+s11], $0x80, s2, s11, $0xb8;
	[tilespmem:$0x15C00] =	vst v63  }
0x9b: {  	_ =	swait.ge [sflag:s25], $0x4000  }
0x9c: {  	[sflag:s25] =	ssyncset.done $0x0  }
0x9d: {  	s2 =	simm.s32 @p0 $0x4;
	[sflag:s25] =	ssyncadd.s32 $0xFFFFC000  }
0x9e: {  	[hbm4b:s0+s3] =	stream.linear.scatter [tilespmem:s20], [sflag:$0x8], $0x4000, $0x38;
	[tilespmem:$0x15C00] =	vst v63  }
0x9f: {  	_ =	swait.ge @p0 [sflag:s2], $0x4000  }
0xa0: {  	s7 =	simm.s32 @!p0 $0x8;
	[sflag:s2] =	ssyncset.done @p0 $0x0  }
0xa1: {  	s0 =	rddreg [dreg:$0x5];
	[sflag:s2] =	ssyncadd.s32 @p0 $0xFFFFC000;
	s2 =	simm.s32 @p0 $0xDC00  }
0xa2: {  	[hbm4b:s0+s4] =	stream.linear.scatter @p0 [tilespmem:s2], [sflag:$0x9], $0x4000, $0x38;
	[tilespmem:$0x15C00] =	vst v63  }
0xa3: {  	_ =	swait.ge @!p0 [sflag:s7], $0x4000  }
0xa4: {  	s0 =	sadd.s32 @!p0 $0x380, s5;
	[sflag:s7] =	ssyncset.done @!p0 $0x0  }
0xa5: {  	s2 =	simm.s32 @!p0 $0x9C00;
	s4 =	simm.s32 @!p0 $0x4;
	[sflag:s7] =	ssyncadd.s32 @!p0 $0xFFFFC000  }
0xa6: {  	[tilespmem:s2], [sflag:$0x3] =	stream.indirect.gather @!p0 [hbm4b:s1+s11], $0x80, s0, s11, $0xb8;
	[tilespmem:$0x15C00] =	vst v63  }
0xa7: {  	_ =	swait.ge @!p0 [sflag:s4], $0x4000  }
0xa8: {  	[sflag:s4] =	ssyncset.done @!p0 $0x0  }
0xa9: {  	s0 =	simm.s32 @!p0 $0xDC00;
	s2 =	simm.s32 @!p0 $0x9;
	[sflag:s4] =	ssyncadd.s32 @!p0 $0xFFFFC000  }
0xaa: {  	[hbm4b:s31+s6] =	stream.linear.scatter @!p0 [tilespmem:s0], [sflag:$0x9], $0x4000, $0x38;
	[tilespmem:$0x15C00] =	vst v63  }
0xab: {  	_ =	swait.ge @!p0 [sflag:s2], $0x4000  }
0xac: {  	[sflag:s2] =	ssyncset.done @!p0 $0x0  }
0xad: {  	s4 =	sadd.s32 @!p0 $0x400, s5;
	[sflag:s2] =	ssyncadd.s32 @!p0 $0xFFFFC000  }
0xae: {  	[tilespmem:s0], [sflag:$0x4] =	stream.indirect.gather @!p0 [hbm4b:s1+s11], $0x80, s4, s11, $0xb8;
	[tilespmem:$0x15C00] =	vst v63  }
0xaf: {  	_ =	swait.ge [sflag:s26], $0x4000  }
0xb0: {  	[sflag:s26] =	ssyncset.done $0x0  }
0xb1: {  	[sflag:s26] =	ssyncadd.s32 $0xFFFFC000  }
0xb2: {  	[hbm4b:s30+s3] =	stream.linear.scatter [tilespmem:s23], [sflag:$0xA], $0x4000, $0x38;
	[tilespmem:$0x15C00] =	vst v63  }
0xb3: {  	s30 =	simm.s32 $0xA  }
0xb4: {  	_ =	swait.ge [sflag:s30], $0x4000  }
0xb5: {  	s29 =	sadd.s32 $0x1, s29;
	s31 =	rddreg [dreg:$0x8]  }
0xb6: {  	p0 =	sne.s32 s29, s31  }
.Ltmp1:
0xb7: {  	_ = 	snop;
	(pc) =	sbr.rel @p0 .LBB2_1-.Ltmp1, $3  }
0xb8: {  	_ =	sdelay $0x1  }
0xb9: {  	[sflag:s30] =	ssyncset.done $0x0  }
0xba: {  	[sflag:s30] =	ssyncadd.s32 $0xFFFFC000  }
0xbb: {  	_ =	sfence.sel $0x180000  }
0xbc: {  	[bflag:$0x0] =	sbarrier.arrive $0xFFFF  }
0xbd: {  	_ =	strace $0x90000047  }
0xbe: {  	s0 =	stileid.u32;
	[bflag:$0x2] =	sbarrier.arrive $0xFFFF  }
0xbf: {  	p0 =	sne.s32 s0, $0x0;
	s0 =	rddreg [dreg:$0x3]  }
0xc0: {  	s0 =	sadd.s32 @!p0 $0x100000, s0  }
0xc1: {  	[sflag:s0] =	ssyncadd.tile.s32 @!p0 $0x1;
	_ =	shalt  }
.Lfunc_end2:
_tile_overlayer_lowered:
.L_overlay_start_2:
0xc2: {  	(tag) =	ssettag $0x2  }
0xc3: {  	s0 =	rddreg [dreg:$0x0];
	s2 =	stileid.u32  }
0xc4: {  	s1 =	rddreg [dreg:$0x1];
	p0 =	sne.s32 s2, $0x0  }
0xc5: {  	s3 =	rddreg [dreg:$0x2];
	[bflag:$0x3] =	sbarrier.arrive $0xFFFF;
	s2 =	simm.s32 @!p0 $0x1C0B  }
0xc6: {  	[timem:s3], [sflag:s2] =	dma.local @!p0 [hbm:s0], s1  }
0xc7: {  	s0 =	simm.s32 @!p0 $0xB  }
0xc8: {  	_ =	swait.ge @!p0 [sflag:s0], s1  }
0xc9: {  	s1 =	ssub.s32 @!p0 $0x0, s1;
	[sflag:s0] =	ssyncset.done @!p0 $0x0  }
0xca: {  	[sflag:s0] =	ssyncadd.s32 @!p0 s1  }
0xcb: {  	[bflag:$0x3] =	sbarrier.arrive $0xFFFF  }
0xcc: {  	_ =	shalt  }

</sc_bundles>
